<compile_context>
chip_gen: v7x
topology: tpu7x:2x2x1
jax: 0.10.2.dev20260603
libtpu: 0.0.44.dev20260713+nightly
codegen_flags: <defaults>
</compile_context>

<pallas_src>
import jax
import jax.numpy as jnp
from jax import lax
from jax.experimental import pallas as pl
from jax.experimental.pallas import tpu as pltpu
from jax.experimental.pallas import tpu_sc as plsc

_B = 16384
_D = 128
_NE = 1000

_NC = 2
_NS = 16
_NW = _NC * _NS
_BPW = _B // _NW
_CHUNKS = _BPW // 16


def _body(z_hbm, t_hbm, e_hbm, ic_hbm, sh_hbm, la_hbm, out_hbm,
          zsh, ic_s, sh_s, la_s, t_v, e_v, zidx_v, zsel_v, psel_v,
          logit_v, sem, semp):
    s = lax.axis_index("s")
    wid = lax.axis_index("c") * _NS + s
    base = wid * _BPW
    sbase = s * _BPW * _D
    gr = pltpu.async_copy(z_hbm.at[pl.ds(base * _D, _BPW * _D)],
                          zsh.at[pl.ds(sbase, _BPW * _D)], sem)
    p1 = pltpu.async_copy(ic_hbm, ic_s, semp)
    p2 = pltpu.async_copy(sh_hbm, sh_s, semp)
    p3 = pltpu.async_copy(la_hbm, la_s, semp)
    gt = pltpu.async_copy(t_hbm.at[pl.ds(base, _BPW)], t_v, sem)
    ge = pltpu.async_copy(e_hbm.at[pl.ds(base, _BPW)], e_v, sem)
    gt.wait()
    ge.wait()
    iota = lax.iota(jnp.int32, 16)

    def idx_body(j, _):
        o = pl.multiple_of(j * 16, 16)
        t16 = t_v[pl.ds(o, 16)]
        zidx_v[pl.ds(o, 16)] = sbase + (iota + o) * _D + t16
        return 0

    lax.fori_loop(0, _CHUNKS, idx_body, 0)
    p1.wait()
    p2.wait()
    p3.wait()
    g1 = pltpu.async_copy(ic_s.at[e_v], psel_v.at[pl.ds(0, _BPW)], semp)
    g2 = pltpu.async_copy(sh_s.at[e_v], psel_v.at[pl.ds(_BPW, _BPW)], semp)
    g3 = pltpu.async_copy(la_s.at[e_v], psel_v.at[pl.ds(2 * _BPW, _BPW)],
                          semp)
    gr.wait()
    gz = pltpu.async_copy(zsh.at[zidx_v], zsel_v, sem)
    g1.wait()
    g2.wait()
    g3.wait()
    gz.wait()

    def comp_body(j, _):
        o = pl.multiple_of(j * 16, 16)
        zs = zsel_v[pl.ds(o, 16)]
        ic = psel_v[pl.ds(o, 16)]
        sh = psel_v[pl.ds(_BPW + o, 16)]
        la = psel_v[pl.ds(2 * _BPW + o, 16)]
        zl = zs * la
        logit_v[pl.ds(o, 16)] = sh + zs * ic - zl * zl
        return 0

    lax.fori_loop(0, _CHUNKS, comp_body, 0)
    pltpu.sync_copy(logit_v, out_hbm.at[pl.ds(base, _BPW)])


def kernel(z, t, env_ids, intercepts, shifts, lambdas):
    t32 = t.astype(jnp.int32)
    e32 = env_ids.astype(jnp.int32)
    mesh = plsc.VectorSubcoreMesh(core_axis_name="c", subcore_axis_name="s")
    f = pl.kernel(
        _body,
        mesh=mesh,
        out_type=jax.ShapeDtypeStruct((_B,), jnp.float32),
        scratch_types=[
            pltpu.VMEM_SHARED((_NS * _BPW * _D,), jnp.float32),
            pltpu.VMEM_SHARED((_NE,), jnp.float32),
            pltpu.VMEM_SHARED((_NE,), jnp.float32),
            pltpu.VMEM_SHARED((_NE,), jnp.float32),
            pltpu.VMEM((_BPW,), jnp.int32),
            pltpu.VMEM((_BPW,), jnp.int32),
            pltpu.VMEM((_BPW,), jnp.int32),
            pltpu.VMEM((_BPW,), jnp.float32),
            pltpu.VMEM((3 * _BPW,), jnp.float32),
            pltpu.VMEM((_BPW,), jnp.float32),
            pltpu.SemaphoreType.DMA,
            pltpu.SemaphoreType.DMA,
        ],
    )
    lg = f(z.reshape(_B * _D), t32, e32, intercepts, shifts, lambdas)
    return jnp.concatenate([jnp.zeros((_B, 1), jnp.float32),
                            lg.reshape(_B, 1)], axis=1)

# --- scband reference (transcript-rebuilt; emitter-appended) ---
"""Pipeline reference for scband-parametric-part-78323023610117 (READ-ONLY COPY).

The authoritative reference and input builder live on the scoring server;
editing this copy changes nothing except your own understanding.
"""

import jax, jax.numpy as jnp
import numpy as np

B = 16384
D = 128
NUM_ENVS = 1000

def setup_inputs(seed: int = 0) -> dict:
    key = jax.random.key(seed)
    k1, k2, k3 = jax.random.split(key, 3)
    z = jax.random.normal(k1, (B, D), dtype=jnp.float32)
    t = jax.random.randint(k2, (B,), 0, D, dtype=jnp.int64) if jax.config.jax_enable_x64 else jax.random.randint(k2, (B,), 0, D, dtype=jnp.int32)
    env_ids = jax.random.randint(k3, (B,), 0, NUM_ENVS, dtype=jnp.int64) if jax.config.jax_enable_x64 else jax.random.randint(k3, (B,), 0, NUM_ENVS, dtype=jnp.int32)
    # learned parameters, initialized exactly like the torch module
    intercepts = jnp.ones((NUM_ENVS,), dtype=jnp.float32)
    shifts = jnp.zeros((NUM_ENVS,), dtype=jnp.float32)
    lambdas = jnp.ones((NUM_ENVS,), dtype=jnp.float32)
    return {"z": z, "t": t, "env_ids": env_ids,
            "intercepts": intercepts, "shifts": shifts, "lambdas": lambdas}

def reference(z, t, env_ids, intercepts, shifts, lambdas):
    n = z.shape[0]
    # per-row gather: z[arange(B), t]
    z_sel = z[jnp.arange(n), t]
    # embedding-style lookups into per-env parameter vectors
    intercepts_sel = jnp.take(intercepts, env_ids, axis=0)
    lambdas_sel = jnp.take(lambdas, env_ids, axis=0)
    shifts_sel = jnp.take(shifts, env_ids, axis=0)
    logit = shifts_sel + z_sel * intercepts_sel - (z_sel * lambdas_sel) ** 2
    logit = jnp.concatenate((jnp.zeros((n, 1), dtype=logit.dtype), logit.reshape(-1, 1)), axis=1)
    return logit

if __name__ == "__main__":
    import jax
    _d = setup_inputs()
    print(jax.jit(kernel)(*tuple(_d.values())))

</pallas_src>

<mosaic_0001>
#map = affine_map<(d0, d1) -> (0)>
module attributes {stable_mosaic.version = 14 : i64} {
  func.func @_body(%arg0: i32, %arg1: i32, %arg2: memref<2097152xf32, #tpu.memory_space<hbm>>, %arg3: memref<16384xi32, #tpu.memory_space<hbm>>, %arg4: memref<16384xi32, #tpu.memory_space<hbm>>, %arg5: memref<1000xf32, #tpu.memory_space<hbm>>, %arg6: memref<1000xf32, #tpu.memory_space<hbm>>, %arg7: memref<1000xf32, #tpu.memory_space<hbm>>, %arg8: memref<16384xf32, #tpu.memory_space<hbm>>, %arg9: memref<1048576xf32, #tpu.memory_space<vmem_shared>>, %arg10: memref<1000xf32, #tpu.memory_space<vmem_shared>>, %arg11: memref<1000xf32, #tpu.memory_space<vmem_shared>>, %arg12: memref<1000xf32, #tpu.memory_space<vmem_shared>>, %arg13: memref<512xi32, #tpu.memory_space<vmem>>, %arg14: memref<512xi32, #tpu.memory_space<vmem>>, %arg15: memref<512xi32, #tpu.memory_space<vmem>>, %arg16: memref<512xf32, #tpu.memory_space<vmem>>, %arg17: memref<1536xf32, #tpu.memory_space<vmem>>, %arg18: memref<512xf32, #tpu.memory_space<vmem>>, %arg19: memref<!tpu.dma_semaphore, #tpu.memory_space<semaphore_mem>>, %arg20: memref<!tpu.dma_semaphore, #tpu.memory_space<semaphore_mem>>) attributes {dimension_semantics = [#tpu.dimension_semantics<core_parallel>, #tpu.dimension_semantics<subcore_parallel>], iteration_bounds = array<i64: 2, 16>, scalar_prefetch = 0 : i64, scratch_operands = 12 : i64, tpu.core_type = #tpu.core_type<sc_vector_subcore>, window_params = [{transform_indices = #map}, {transform_indices = #map}, {transform_indices = #map}, {transform_indices = #map}, {transform_indices = #map}, {transform_indices = #map}, {transform_indices = #map}]} {
    %mul3A = arith.constant 16 : i32
    %mul3A_0 = arith.muli %arg0, %mul3A : i32
    %add3A = arith.addi %mul3A_0, %arg1 : i32
    %mul3A_1 = arith.constant 512 : i32
    %mul3A_2 = arith.muli %add3A, %mul3A_1 : i32
    %mul3A_3 = arith.constant 512 : i32
    %mul3A_4 = arith.muli %arg1, %mul3A_3 : i32
    %mul3A_5 = arith.constant 128 : i32
    %mul3A_6 = arith.muli %mul3A_4, %mul3A_5 : i32
    %mul3A_7 = arith.constant 128 : i32
    %mul3A_8 = arith.muli %mul3A_2, %mul3A_7 : i32
    %dma_start3A = tpu.memref_slice %arg9[%mul3A_6] : memref<1048576xf32, #tpu.memory_space<vmem_shared>> -> memref<65536xf32, #tpu.memory_space<vmem_shared>>
    %dma_start3A_9 = tpu.memref_slice %arg2[%mul3A_8] : memref<2097152xf32, #tpu.memory_space<hbm>> -> memref<65536xf32, #tpu.memory_space<hbm>>
    tpu.enqueue_dma source(%dma_start3A_9 : memref<65536xf32, #tpu.memory_space<hbm>>) target(%dma_start3A : memref<65536xf32, #tpu.memory_space<vmem_shared>>) target_semaphore(%arg19 : memref<!tpu.dma_semaphore, #tpu.memory_space<semaphore_mem>>)
    tpu.enqueue_dma source(%arg5 : memref<1000xf32, #tpu.memory_space<hbm>>) target(%arg10 : memref<1000xf32, #tpu.memory_space<vmem_shared>>) target_semaphore(%arg20 : memref<!tpu.dma_semaphore, #tpu.memory_space<semaphore_mem>>)
    tpu.enqueue_dma source(%arg6 : memref<1000xf32, #tpu.memory_space<hbm>>) target(%arg11 : memref<1000xf32, #tpu.memory_space<vmem_shared>>) target_semaphore(%arg20 : memref<!tpu.dma_semaphore, #tpu.memory_space<semaphore_mem>>)
    tpu.enqueue_dma source(%arg7 : memref<1000xf32, #tpu.memory_space<hbm>>) target(%arg12 : memref<1000xf32, #tpu.memory_space<vmem_shared>>) target_semaphore(%arg20 : memref<!tpu.dma_semaphore, #tpu.memory_space<semaphore_mem>>)
    %dma_start3A_10 = tpu.memref_slice %arg3[%mul3A_2] : memref<16384xi32, #tpu.memory_space<hbm>> -> memref<512xi32, #tpu.memory_space<hbm>>
    %dma_start3A_11 = tpu.memref_slice %arg3[%mul3A_2] : memref<16384xi32, #tpu.memory_space<hbm>> -> memref<512xi32, #tpu.memory_space<hbm>>
    tpu.enqueue_dma source(%dma_start3A_11 : memref<512xi32, #tpu.memory_space<hbm>>) target(%arg13 : memref<512xi32, #tpu.memory_space<vmem>>) target_semaphore(%arg19 : memref<!tpu.dma_semaphore, #tpu.memory_space<semaphore_mem>>)
    %dma_start3A_12 = tpu.memref_slice %arg4[%mul3A_2] : memref<16384xi32, #tpu.memory_space<hbm>> -> memref<512xi32, #tpu.memory_space<hbm>>
    %dma_start3A_13 = tpu.memref_slice %arg4[%mul3A_2] : memref<16384xi32, #tpu.memory_space<hbm>> -> memref<512xi32, #tpu.memory_space<hbm>>
    tpu.enqueue_dma source(%dma_start3A_13 : memref<512xi32, #tpu.memory_space<hbm>>) target(%arg14 : memref<512xi32, #tpu.memory_space<vmem>>) target_semaphore(%arg19 : memref<!tpu.dma_semaphore, #tpu.memory_space<semaphore_mem>>)
    %dma_wait3A = tpu.memref_slice %arg3[%mul3A_2] : memref<16384xi32, #tpu.memory_space<hbm>> -> memref<512xi32, #tpu.memory_space<hbm>>
    %dma_wait3A_14 = tpu.memref_slice %arg3[%mul3A_2] : memref<16384xi32, #tpu.memory_space<hbm>> -> memref<512xi32, #tpu.memory_space<hbm>>
    tpu.wait_dma2 semaphore(%arg19 : memref<!tpu.dma_semaphore, #tpu.memory_space<semaphore_mem>>) src(%dma_wait3A_14 : memref<512xi32, #tpu.memory_space<hbm>>) dst(%arg13 : memref<512xi32, #tpu.memory_space<vmem>>)
    %dma_wait3A_15 = tpu.memref_slice %arg4[%mul3A_2] : memref<16384xi32, #tpu.memory_space<hbm>> -> memref<512xi32, #tpu.memory_space<hbm>>
    %dma_wait3A_16 = tpu.memref_slice %arg4[%mul3A_2] : memref<16384xi32, #tpu.memory_space<hbm>> -> memref<512xi32, #tpu.memory_space<hbm>>
    tpu.wait_dma2 semaphore(%arg19 : memref<!tpu.dma_semaphore, #tpu.memory_space<semaphore_mem>>) src(%dma_wait3A_16 : memref<512xi32, #tpu.memory_space<hbm>>) dst(%arg14 : memref<512xi32, #tpu.memory_space<vmem>>)
    %iota3A = tpu.iota {dimensions = array<i32: 0>} : vector<16xi32>
    %scan3A = arith.constant 0 : i32
    %scan3A_17 = arith.constant 0 : i32
    %scan3A_18 = arith.constant 32 : i32
    %scan3A_19 = arith.addi %scan3A_17, %scan3A_18 : i32
    %scan3A_20 = arith.constant 1 : i32
    %scan3A_21 = scf.for %scan3A_60 = %scan3A_17 to %scan3A_19 step %scan3A_20 iter_args(%scan3A_61 = %scan3A) -> (i32)  : i32 {
      %mul3A_62 = arith.constant 16 : i32
      %mul3A_63 = arith.muli %scan3A_60, %mul3A_62 : i32
      %multiple_of3A = tpu.assume_multiple %mul3A_63, 16 : i32
      %get3A = arith.index_cast %multiple_of3A : i32 to index
      %get3A_64 = tpu.vector_load %arg13[%get3A] {strides = array<i32>} : memref<512xi32, #tpu.memory_space<vmem>>, vector<16xi32>,
      %get3A_65 = vector.shape_cast %get3A_64 : vector<16xi32> to vector<16xi32>
      %add3A_66 = vector.broadcast %multiple_of3A : i32 to vector<16xi32>
      %add3A_67 = arith.addi %iota3A, %add3A_66 : vector<16xi32>
      %mul3A_68 = arith.constant 128 : i32
      %mul3A_69 = vector.broadcast %mul3A_68 : i32 to vector<16xi32>
      %mul3A_70 = arith.muli %add3A_67, %mul3A_69 : vector<16xi32>
      %add3A_71 = vector.broadcast %mul3A_6 : i32 to vector<16xi32>
      %add3A_72 = arith.addi %add3A_71, %mul3A_70 : vector<16xi32>
      %add3A_73 = arith.addi %add3A_72, %get3A_65 : vector<16xi32>
      %swap3A = arith.index_cast %multiple_of3A : i32 to index
      %swap3A_74 = tpu.vector_load %arg15[%swap3A] {strides = array<i32>} : memref<512xi32, #tpu.memory_space<vmem>>, vector<16xi32>,
      %swap3A_75 = vector.shape_cast %swap3A_74 : vector<16xi32> to vector<16xi32>
      %swap3A_76 = vector.shape_cast %add3A_73 : vector<16xi32> to vector<16xi32>
      tpu.vector_store %arg15[%swap3A], %swap3A_76 {strides = array<i32>} : memref<512xi32, #tpu.memory_space<vmem>>, vector<16xi32>,
      %scan3A_77 = arith.constant 0 : i32
      scf.yield %scan3A_77 : i32
    }
    %scan3A_22 = arith.constant 32 : i32
    tpu.wait_dma2 semaphore(%arg20 : memref<!tpu.dma_semaphore, #tpu.memory_space<semaphore_mem>>) src(%arg5 : memref<1000xf32, #tpu.memory_space<hbm>>) dst(%arg10 : memref<1000xf32, #tpu.memory_space<vmem_shared>>)
    tpu.wait_dma2 semaphore(%arg20 : memref<!tpu.dma_semaphore, #tpu.memory_space<semaphore_mem>>) src(%arg6 : memref<1000xf32, #tpu.memory_space<hbm>>) dst(%arg11 : memref<1000xf32, #tpu.memory_space<vmem_shared>>)
    tpu.wait_dma2 semaphore(%arg20 : memref<!tpu.dma_semaphore, #tpu.memory_space<semaphore_mem>>) src(%arg7 : memref<1000xf32, #tpu.memory_space<hbm>>) dst(%arg12 : memref<1000xf32, #tpu.memory_space<vmem_shared>>)
    %dma_start3A_23 = arith.constant 0 : i32
    %dma_start3A_24 = tpu.memref_slice %arg17[%dma_start3A_23] : memref<1536xf32, #tpu.memory_space<vmem>> -> memref<512xf32, #tpu.memory_space<vmem>>
    %dma_start3A_25 = arith.constant 0 : i32
    %dma_start3A_26 = tpu.memref_slice %arg10[%dma_start3A_25] : memref<1000xf32, #tpu.memory_space<vmem_shared>> -> memref<1000xf32, #tpu.memory_space<vmem_shared>>
    tpu.enqueue_indirect_dma source(%dma_start3A_26 : memref<1000xf32, #tpu.memory_space<vmem_shared>>) target(%dma_start3A_24 : memref<512xf32, #tpu.memory_space<vmem>>) offsets(%arg14 : memref<512xi32, #tpu.memory_space<vmem>>) semaphore(%arg20 : memref<!tpu.dma_semaphore, #tpu.memory_space<semaphore_mem>>)
    %dma_start3A_27 = arith.constant 512 : i32
    %dma_start3A_28 = tpu.memref_slice %arg17[%dma_start3A_27] : memref<1536xf32, #tpu.memory_space<vmem>> -> memref<512xf32, #tpu.memory_space<vmem>>
    %dma_start3A_29 = arith.constant 0 : i32
    %dma_start3A_30 = tpu.memref_slice %arg11[%dma_start3A_29] : memref<1000xf32, #tpu.memory_space<vmem_shared>> -> memref<1000xf32, #tpu.memory_space<vmem_shared>>
    tpu.enqueue_indirect_dma source(%dma_start3A_30 : memref<1000xf32, #tpu.memory_space<vmem_shared>>) target(%dma_start3A_28 : memref<512xf32, #tpu.memory_space<vmem>>) offsets(%arg14 : memref<512xi32, #tpu.memory_space<vmem>>) semaphore(%arg20 : memref<!tpu.dma_semaphore, #tpu.memory_space<semaphore_mem>>)
    %dma_start3A_31 = arith.constant 1024 : i32
    %dma_start3A_32 = tpu.memref_slice %arg17[%dma_start3A_31] : memref<1536xf32, #tpu.memory_space<vmem>> -> memref<512xf32, #tpu.memory_space<vmem>>
    %dma_start3A_33 = arith.constant 0 : i32
    %dma_start3A_34 = tpu.memref_slice %arg12[%dma_start3A_33] : memref<1000xf32, #tpu.memory_space<vmem_shared>> -> memref<1000xf32, #tpu.memory_space<vmem_shared>>
    tpu.enqueue_indirect_dma source(%dma_start3A_34 : memref<1000xf32, #tpu.memory_space<vmem_shared>>) target(%dma_start3A_32 : memref<512xf32, #tpu.memory_space<vmem>>) offsets(%arg14 : memref<512xi32, #tpu.memory_space<vmem>>) semaphore(%arg20 : memref<!tpu.dma_semaphore, #tpu.memory_space<semaphore_mem>>)
    %dma_wait3A_35 = tpu.memref_slice %arg9[%mul3A_6] : memref<1048576xf32, #tpu.memory_space<vmem_shared>> -> memref<65536xf32, #tpu.memory_space<vmem_shared>>
    %dma_wait3A_36 = tpu.memref_slice %arg2[%mul3A_8] : memref<2097152xf32, #tpu.memory_space<hbm>> -> memref<65536xf32, #tpu.memory_space<hbm>>
    tpu.wait_dma2 semaphore(%arg19 : memref<!tpu.dma_semaphore, #tpu.memory_space<semaphore_mem>>) src(%dma_wait3A_36 : memref<65536xf32, #tpu.memory_space<hbm>>) dst(%dma_wait3A_35 : memref<65536xf32, #tpu.memory_space<vmem_shared>>)
    %dma_start3A_37 = arith.constant 0 : i32
    %dma_start3A_38 = tpu.memref_slice %arg9[%dma_start3A_37] : memref<1048576xf32, #tpu.memory_space<vmem_shared>> -> memref<1048576xf32, #tpu.memory_space<vmem_shared>>
    tpu.enqueue_indirect_dma source(%dma_start3A_38 : memref<1048576xf32, #tpu.memory_space<vmem_shared>>) target(%arg16 : memref<512xf32, #tpu.memory_space<vmem>>) offsets(%arg15 : memref<512xi32, #tpu.memory_space<vmem>>) semaphore(%arg19 : memref<!tpu.dma_semaphore, #tpu.memory_space<semaphore_mem>>)
    %dma_wait3A_39 = arith.constant 0 : i32
    %dma_wait3A_40 = tpu.memref_slice %arg17[%dma_wait3A_39] : memref<1536xf32, #tpu.memory_space<vmem>> -> memref<512xf32, #tpu.memory_space<vmem>>
    %dma_wait3A_41 = arith.constant 0 : i32
    %dma_wait3A_42 = tpu.memref_slice %arg10[%dma_wait3A_41] : memref<1000xf32, #tpu.memory_space<vmem_shared>> -> memref<1000xf32, #tpu.memory_space<vmem_shared>>
    tpu.wait_indirect_dma semaphore(%arg20 : memref<!tpu.dma_semaphore, #tpu.memory_space<semaphore_mem>>) src(%dma_wait3A_42 : memref<1000xf32, #tpu.memory_space<vmem_shared>>) dst(%dma_wait3A_40 : memref<512xf32, #tpu.memory_space<vmem>>)
    %dma_wait3A_43 = arith.constant 512 : i32
    %dma_wait3A_44 = tpu.memref_slice %arg17[%dma_wait3A_43] : memref<1536xf32, #tpu.memory_space<vmem>> -> memref<512xf32, #tpu.memory_space<vmem>>
    %dma_wait3A_45 = arith.constant 0 : i32
    %dma_wait3A_46 = tpu.memref_slice %arg11[%dma_wait3A_45] : memref<1000xf32, #tpu.memory_space<vmem_shared>> -> memref<1000xf32, #tpu.memory_space<vmem_shared>>
    tpu.wait_indirect_dma semaphore(%arg20 : memref<!tpu.dma_semaphore, #tpu.memory_space<semaphore_mem>>) src(%dma_wait3A_46 : memref<1000xf32, #tpu.memory_space<vmem_shared>>) dst(%dma_wait3A_44 : memref<512xf32, #tpu.memory_space<vmem>>)
    %dma_wait3A_47 = arith.constant 1024 : i32
    %dma_wait3A_48 = tpu.memref_slice %arg17[%dma_wait3A_47] : memref<1536xf32, #tpu.memory_space<vmem>> -> memref<512xf32, #tpu.memory_space<vmem>>
    %dma_wait3A_49 = arith.constant 0 : i32
    %dma_wait3A_50 = tpu.memref_slice %arg12[%dma_wait3A_49] : memref<1000xf32, #tpu.memory_space<vmem_shared>> -> memref<1000xf32, #tpu.memory_space<vmem_shared>>
    tpu.wait_indirect_dma semaphore(%arg20 : memref<!tpu.dma_semaphore, #tpu.memory_space<semaphore_mem>>) src(%dma_wait3A_50 : memref<1000xf32, #tpu.memory_space<vmem_shared>>) dst(%dma_wait3A_48 : memref<512xf32, #tpu.memory_space<vmem>>)
    %dma_wait3A_51 = arith.constant 0 : i32
    %dma_wait3A_52 = tpu.memref_slice %arg9[%dma_wait3A_51] : memref<1048576xf32, #tpu.memory_space<vmem_shared>> -> memref<1048576xf32, #tpu.memory_space<vmem_shared>>
    tpu.wait_indirect_dma semaphore(%arg19 : memref<!tpu.dma_semaphore, #tpu.memory_space<semaphore_mem>>) src(%dma_wait3A_52 : memref<1048576xf32, #tpu.memory_space<vmem_shared>>) dst(%arg16 : memref<512xf32, #tpu.memory_space<vmem>>)
    %scan3A_53 = arith.constant 0 : i32
    %scan3A_54 = arith.constant 0 : i32
    %scan3A_55 = arith.constant 32 : i32
    %scan3A_56 = arith.addi %scan3A_54, %scan3A_55 : i32
    %scan3A_57 = arith.constant 1 : i32
    %scan3A_58 = scf.for %scan3A_60 = %scan3A_54 to %scan3A_56 step %scan3A_57 iter_args(%scan3A_61 = %scan3A_53) -> (i32)  : i32 {
      %mul3A_62 = arith.constant 16 : i32
      %mul3A_63 = arith.muli %scan3A_60, %mul3A_62 : i32
      %multiple_of3A = tpu.assume_multiple %mul3A_63, 16 : i32
      %get3A = arith.index_cast %multiple_of3A : i32 to index
      %get3A_64 = tpu.vector_load %arg16[%get3A] {strides = array<i32>} : memref<512xf32, #tpu.memory_space<vmem>>, vector<16xf32>,
      %get3A_65 = vector.shape_cast %get3A_64 : vector<16xf32> to vector<16xf32>
      %get3A_66 = arith.index_cast %multiple_of3A : i32 to index
      %get3A_67 = tpu.vector_load %arg17[%get3A_66] {strides = array<i32>} : memref<1536xf32, #tpu.memory_space<vmem>>, vector<16xf32>,
      %get3A_68 = vector.shape_cast %get3A_67 : vector<16xf32> to vector<16xf32>
      %add3A_69 = arith.constant 512 : i32
      %add3A_70 = arith.addi %add3A_69, %multiple_of3A : i32
      %get3A_71 = arith.index_cast %add3A_70 : i32 to index
      %get3A_72 = tpu.vector_load %arg17[%get3A_71] {strides = array<i32>} : memref<1536xf32, #tpu.memory_space<vmem>>, vector<16xf32>,
      %get3A_73 = vector.shape_cast %get3A_72 : vector<16xf32> to vector<16xf32>
      %add3A_74 = arith.constant 1024 : i32
      %add3A_75 = arith.addi %add3A_74, %multiple_of3A : i32
      %get3A_76 = arith.index_cast %add3A_75 : i32 to index
      %get3A_77 = tpu.vector_load %arg17[%get3A_76] {strides = array<i32>} : memref<1536xf32, #tpu.memory_space<vmem>>, vector<16xf32>,
      %get3A_78 = vector.shape_cast %get3A_77 : vector<16xf32> to vector<16xf32>
      %mul3A_79 = arith.mulf %get3A_65, %get3A_78 : vector<16xf32>
      %mul3A_80 = arith.mulf %get3A_65, %get3A_68 : vector<16xf32>
      %add3A_81 = arith.addf %get3A_73, %mul3A_80 : vector<16xf32>
      %mul3A_82 = arith.mulf %mul3A_79, %mul3A_79 : vector<16xf32>
      %sub3A = arith.subf %add3A_81, %mul3A_82 : vector<16xf32>
      %swap3A = arith.index_cast %multiple_of3A : i32 to index
      %swap3A_83 = tpu.vector_load %arg18[%swap3A] {strides = array<i32>} : memref<512xf32, #tpu.memory_space<vmem>>, vector<16xf32>,
      %swap3A_84 = vector.shape_cast %swap3A_83 : vector<16xf32> to vector<16xf32>
      %swap3A_85 = vector.shape_cast %sub3A : vector<16xf32> to vector<16xf32>
      tpu.vector_store %arg18[%swap3A], %swap3A_85 {strides = array<i32>} : memref<512xf32, #tpu.memory_space<vmem>>, vector<16xf32>,
      %scan3A_86 = arith.constant 0 : i32
      scf.yield %scan3A_86 : i32
    }
    %scan3A_59 = arith.constant 32 : i32
    "tpu.region"() ({
      %run_scoped3A = tpu.sem_alloc : memref<!tpu.dma_semaphore, #tpu.memory_space<semaphore_mem>>
      %dma_start3A_60 = tpu.memref_slice %arg8[%mul3A_2] : memref<16384xf32, #tpu.memory_space<hbm>> -> memref<512xf32, #tpu.memory_space<hbm>>
      %dma_start3A_61 = tpu.memref_slice %arg8[%mul3A_2] : memref<16384xf32, #tpu.memory_space<hbm>> -> memref<512xf32, #tpu.memory_space<hbm>>
      tpu.enqueue_dma source(%arg18 : memref<512xf32, #tpu.memory_space<vmem>>) target(%dma_start3A_61 : memref<512xf32, #tpu.memory_space<hbm>>) target_semaphore(%run_scoped3A : memref<!tpu.dma_semaphore, #tpu.memory_space<semaphore_mem>>)
      %dma_wait3A_62 = tpu.memref_slice %arg8[%mul3A_2] : memref<16384xf32, #tpu.memory_space<hbm>> -> memref<512xf32, #tpu.memory_space<hbm>>
      %dma_wait3A_63 = tpu.memref_slice %arg8[%mul3A_2] : memref<16384xf32, #tpu.memory_space<hbm>> -> memref<512xf32, #tpu.memory_space<hbm>>
      tpu.wait_dma2 semaphore(%run_scoped3A : memref<!tpu.dma_semaphore, #tpu.memory_space<semaphore_mem>>) src(%arg18 : memref<512xf32, #tpu.memory_space<vmem>>) dst(%dma_wait3A_63 : memref<512xf32, #tpu.memory_space<hbm>>)
      tpu.yield
    }) : () -> ()
    return
  }
}

</mosaic_0001>

<sc_bundles>
// kernel: kernel.3.cloned.1.call-start
scs
__scs_entry_jumppad:
0x0: {  	(pc) =	sbr.rel $0x88, $3  }
0x1: {  	(tag) =	ssettag $0x0;
	lr =	simm.s32 $0x1  }
0x2: {  	[smem:$0x3F9B] =	sst lr;
	_ =	strace $0xD0000000  }
0x3: {  	_ = 	snop  }
0x4: {  	_ = 	snop  }
0x5: {  	_ = 	snop  }
0x6: {  	_ = 	snop  }
0x7: {  	_ = 	snop  }
__scs_overlays_trampoline_lowered:
0x8: {  	[smem:$0x3FAA] =	sst s0  }
0x9: {  	[smem:$0x3FAB] =	sst s1  }
0xa: {  	[smem:$0x3FAC] =	sst s2  }
0xb: {  	[smem:$0x3FAD] =	sst s3  }
0xc: {  	[smem:$0x3FAE] =	sst s4  }
0xd: {  	[smem:$0x3FAF] =	sst s5  }
0xe: {  	[smem:$0x3FB0] =	sst s6  }
0xf: {  	[smem:$0x3FB1] =	sst s7  }
0x10: {  	[smem:$0x3FB2] =	sst s8  }
0x11: {  	[smem:$0x3FB3] =	sst s9;
	s0 =	simm.s32 @!p0 $0x0  }
0x12: {  	s1 =	sld [smem:$0x3F99];
	s0 =	simm.s32 @p0 $0x1  }
0x13: {  	[smem:$0x3FB4] =	sst s0;
	s0 =	simm.s32 @!p1 $0x0  }
0x14: {  	s2 =	sld [smem:$0x3F98];
	s0 =	simm.s32 @p1 $0x1  }
0x15: {  	[smem:$0x3FB5] =	sst s0;
	s0 =	simm.s32 @!p2 $0x0  }
0x16: {  	s3 =	sld [smem:$0x3FDB];
	s0 =	simm.s32 @p2 $0x1  }
0x17: {  	s4 =	simm.s32 $0x1BF5;
	[smem:$0x3FB7] =	sst s0  }
0x18: {  	s0 =	sld [smem:$0x3F9A];
	_ =	swait.ge [sflag:s4], $0x0  }
0x19: {  	s7 =	sld [smem:$0x3F9B]  }
0x1a: {  	s8 =	sadd.s32 $0xFFFFE003, lr  }
0x1b: {  	s9 =	sadd.s32 $0xFFFFFEF7, lr;
	s5 =	simm.s32 $0xFFFFFFFF;
	p2 =	slt.u32 s8, $0xFFFFF086  }
0x1c: {  	p1 =	slt.u32 s9, $0xF7A;
	s5 =	simm.s32 @!p2 $0x0  }
0x1d: {  	s5 =	simm.s32 @p1 $0x1;
	p0 =	seq.s32 s7, s2  }
0x1e: {  	s7 =	smul.u32 @!p0 $0xF7A, s2;
	p2 =	seq.s32 @!p0 s5, $0x0  }
0x1f: {  	s9 =	smul.u32 $0xF7A, s1;
	s8 =	simm.s32 @!p0 $0x1BF5;
	p2 =	por !p2, p0  }
0x20: {  	[sflag:s8] =	ssyncset.s32 @!p0 $0xFFFFF086;
	s6 =	sadd.s32 @!p0 s3, s7;
	s7 =	simm.s32 @!p0 $0x108  }
0x21: {  	s3 =	sadd.s32 s3, s9;
	s6 =	sadd.s32 @!p0 $0x88, s6;
	s7 =	simm.s32 @p2 $0x1082  }
0x22: {  	[simem:s7], [sflag:s8] =	dma.local @!p0 [hbm:s6], $0xF7A  }
0x23: {  	s9 =	sor.u32 $0xD0000000, s2;
	s6 =	simm.s32 $0x108;
	_ =	swait.ge @!p0 [sflag:s8], $0x0  }
0x24: {  	s3 =	sadd.s32 $0x88, s3;
	s6 =	simm.s32 @!p1 $0x1082;
	[sflag:s4] =	ssyncset.s32 $0xFFFFF086  }
0x25: {  	[simem:s6], [sflag:s4] =	dma.local [hbm:s3], $0xF7A  }
0x26: {  	[smem:$0x3F9B] =	sst s1;
	(tag) =	ssettag s2;
	_ =	strace s9  }
0x27: {  	s1 =	sld [smem:$0x3FAB]  }
0x28: {  	s2 =	sld [smem:$0x3FAC]  }
0x29: {  	s4 =	sld [smem:$0x3FAE]  }
0x2a: {  	p0 =	seq.s32 s5, $0x0;
	s5 =	sld [smem:$0x3FAF]  }
0x2b: {  	s6 =	sld [smem:$0x3FB0]  }
0x2c: {  	s7 =	sld [smem:$0x3FB1]  }
0x2d: {  	s3 =	simm.s32 $0x108;
	s8 =	sld [smem:$0x3FB2]  }
0x2e: {  	s3 =	simm.s32 @!p0 $0x1082;
	s9 =	sld [smem:$0x3FB3]  }
0x2f: {  	lr =	sadd.s32 s0, s3;
	s0 =	sld [smem:$0x3FAA]  }
0x30: {  	s3 =	sld [smem:$0x3FAD]  }
0x31: {  	[smem:$0x3FB6] =	sst s10  }
0x32: {  	s10 =	sld [smem:$0x3FB4];
	_ =	sdelay $0x3  }
0x33: {  	p0 =	seq.s32 s10, $0x1;
	s10 =	sld [smem:$0x3FB6];
	_ =	sdelay $0x3  }
0x34: {  	[smem:$0x3FB6] =	sst s10  }
0x35: {  	s10 =	sld [smem:$0x3FB5];
	_ =	sdelay $0x3  }
0x36: {  	p1 =	seq.s32 s10, $0x1;
	s10 =	sld [smem:$0x3FB6];
	_ =	sdelay $0x3  }
0x37: {  	[smem:$0x3FB6] =	sst s10  }
0x38: {  	s10 =	sld [smem:$0x3FB7]  }
0x39: {  	_ = 	snop;
	(pc) =	sbr.ind lr, $3  }
0x3a: {  	_ = 	snop  }
0x3b: {  	_ = 	snop  }
0x3c: {  	p2 =	seq.s32 s10, $0x1;
	s10 =	sld [smem:$0x3FB6]  }
0x3d: {  	_ =	shalt  }
0x3e: {  	_ =	shalt  }
0x3f: {  	_ =	shalt  }
0x40: {  	_ =	shalt  }
0x41: {  	_ =	shalt  }
0x42: {  	_ =	shalt  }
0x43: {  	_ =	shalt  }
0x44: {  	_ =	shalt  }
0x45: {  	_ =	shalt  }
0x46: {  	_ =	shalt  }
0x47: {  	_ =	shalt  }
0x48: {  	_ =	shalt  }
0x49: {  	_ =	shalt  }
0x4a: {  	_ =	shalt  }
0x4b: {  	_ =	shalt  }
0x4c: {  	_ =	shalt  }
0x4d: {  	_ =	shalt  }
0x4e: {  	_ =	shalt  }
0x4f: {  	_ =	shalt  }
0x50: {  	_ =	shalt  }
0x51: {  	_ =	shalt  }
0x52: {  	_ =	shalt  }
0x53: {  	_ =	shalt  }
0x54: {  	_ =	shalt  }
0x55: {  	_ =	shalt  }
0x56: {  	_ =	shalt  }
0x57: {  	_ =	shalt  }
0x58: {  	_ =	shalt  }
0x59: {  	_ =	shalt  }
0x5a: {  	_ =	shalt  }
0x5b: {  	_ =	shalt  }
0x5c: {  	_ =	shalt  }
0x5d: {  	_ =	shalt  }
0x5e: {  	_ =	shalt  }
0x5f: {  	_ =	shalt  }
0x60: {  	_ =	shalt  }
0x61: {  	_ =	shalt  }
0x62: {  	_ =	shalt  }
0x63: {  	_ =	shalt  }
0x64: {  	_ =	shalt  }
0x65: {  	_ =	shalt  }
0x66: {  	_ =	shalt  }
0x67: {  	_ =	shalt  }
0x68: {  	_ =	shalt  }
0x69: {  	_ =	shalt  }
0x6a: {  	_ =	shalt  }
0x6b: {  	_ =	shalt  }
0x6c: {  	_ =	shalt  }
0x6d: {  	_ =	shalt  }
0x6e: {  	_ =	shalt  }
0x6f: {  	_ =	shalt  }
0x70: {  	_ =	shalt  }
0x71: {  	_ =	shalt  }
0x72: {  	_ =	shalt  }
0x73: {  	_ =	shalt  }
0x74: {  	_ =	shalt  }
0x75: {  	_ =	shalt  }
0x76: {  	_ =	shalt  }
0x77: {  	_ =	shalt  }
0x78: {  	_ =	shalt  }
0x79: {  	_ =	shalt  }
0x7a: {  	_ =	shalt  }
0x7b: {  	_ =	shalt  }
0x7c: {  	_ =	shalt  }
0x7d: {  	_ =	shalt  }
0x7e: {  	_ =	shalt  }
0x7f: {  	_ =	shalt  }
0x80: {  	_ =	shalt  }
0x81: {  	_ =	shalt  }
0x82: {  	_ =	shalt  }
0x83: {  	_ =	shalt  }
0x84: {  	_ =	shalt  }
0x85: {  	_ =	shalt  }
0x86: {  	_ =	shalt  }
0x87: {  	_ =	shalt  }
.Lfunc_end0:
.L_simem_size_0:
called_computation_lowered:
.L_overlay_start_0:
0x88: {  	s2 =	sld [smem:$0x3FD9]  }
0x89: {  	s3 =	sld [smem:$0x3FFE];
	_ =	sdelay $0x1  }
0x8a: {  	s1 =	srdreg.scid  }
0x8b: {  	s0 =	sand.u32 $0x1, s1  }
0x8c: {  	s17 =	sshll.u32 s0, $0xA;
	s2 =	sadd.s32 s3, s2  }
0x8d: {  	s2 =	sadd.s32 s2, s17  }
0x8e: {  	[smem:$0x3FC2] =	sst s2  }
0x8f: {  	_ = 	snop  }
0x90: {  	s2 =	sld [smem:$0x3FC9]  }
0x91: {  	s18 =	sld [smem:$0x3FC8]  }
0x92: {  	s4 =	sld [smem:$0x3FC7]  }
0x93: {  	s5 =	sld [smem:$0x3FC6]  }
0x94: {  	s6 =	sld [smem:$0x3FC5]  }
0x95: {  	s7 =	sld [smem:$0x3FC4];
	(tm) =	ssettm $0x1  }
0x96: {  	s8 =	sld [smem:$0x3FFB];
	_ =	sdelay $0x3  }
0x97: {  	_ =	strace s8  }
0x98: {  	s8 =	sld [smem:$0x3FFC];
	_ =	sdelay $0x3  }
0x99: {  	_ =	strace s8  }
0x9a: {  	s8 =	sld [smem:$0x3FFD];
	_ =	sdelay $0x3  }
0x9b: {  	_ =	strace s8  }
0x9c: {  	_ =	strace $0x8FFFFFFF  }
0x9d: {  	s19 =	sld [smem:$0x3FDB];
	_ =	sdelay $0x1  }
0x9e: {  	s9 =	simm.s32 $_scs_section_size  }
0x9f: {  	s10 =	simm.s32 $_size__tile_overlayer_lowered;
	s11 =	simm.s32 $_tile_overlayer_lowered  }
0xa0: {  	s22 =	simm.s32 $0x1BFF;
	s21 =	sshll.u32 s11, $0x1;
	s8 =	sadd.s32 s9, s19  }
0xa1: {  	s12 =	simm.s32 $0x0;
	s20 =	sshll.u32 s10, $0x1;
	s10 =	sadd.s32 s21, s8  }
0xa2: {  	[timem:s12], [sflag:s22] =	dma.local [hbm:s10], s20  }
0xa3: {  	_ =	swait.ge [sflag:s22], s20  }
0xa4: {  	s9 =	ssub.s32 $0x0, s20;
	[sflag:s22] =	ssyncset.done $0x0  }
0xa5: {  	[sflag:s22] =	ssyncadd.s32 s9;
	_ =	sdelay $0x1  }
0xa6: {  	s23 =	simm.s32 $0x1B8B  }
0xa7: {  	_ =	swait.ge [sflag:s23], $0x1  }
0xa8: {  	[sflag:s23] =	ssyncset.done $0x0  }
0xa9: {  	s25 =	simm.s32 $0x1B8E;
	s24 =	sld [smem:$0x3FFE];
	[sflag:s23] =	ssyncadd.s32 $0xFFFFFFFF  }
0xaa: {  	s26 =	simm.s32 $execute0_lowered;
	[smem:$0x3FD2] =	sst s25  }
0xab: {  	s10 =	sshll.u32 s26, $0x1;
	_ =	strace $0x80000046;
	[dreg:$0x1] =	wrdreg $0xFFFFFFFF  }
0xac: {  	s28 =	simm.s32 $_size_execute0_lowered;
	s8 =	sadd.s32 s8, s10;
	[dreg:$0x0] =	wrdreg $0x0  }
0xad: {  	s10 =	sshll.u32 s28, $0x1;
	[dreg:$0x2] =	wrdreg s8  }
0xae: {  	[dreg:$0x3] =	wrdreg s10  }
0xaf: {  	[dreg:$0x4] =	wrdreg $0xC0  }
0xb0: {  	_ =	task [dreg:s12], $0x5FFFF  }
0xb1: {  	[dreg:$0x1] =	wrdreg $0xFFFFFFFF  }
0xb2: {  	[dreg:$0x0] =	wrdreg $0x60  }
0xb3: {  	[dreg:$0x2] =	wrdreg s2  }
0xb4: {  	[dreg:$0x3] =	wrdreg s18  }
0xb5: {  	[dreg:$0x4] =	wrdreg s4  }
0xb6: {  	[dreg:$0x5] =	wrdreg s5  }
0xb7: {  	[dreg:$0x6] =	wrdreg s6  }
0xb8: {  	[dreg:$0x7] =	wrdreg s7  }
0xb9: {  	[dreg:$0x8] =	wrdreg s24  }
0xba: {  	[dreg:$0x9] =	wrdreg $0x0  }
0xbb: {  	[dreg:$0xa] =	wrdreg $0x100000  }
0xbc: {  	[dreg:$0xb] =	wrdreg $0x100400  }
0xbd: {  	[dreg:$0xc] =	wrdreg $0x100800  }
0xbe: {  	[dreg:$0xd] =	wrdreg $0x9  }
0xbf: {  	_ =	task.clear_ibuf [dreg:s12], $0xEFFFF;
	_ =	strace $0x90000046  }
0xc0: {  	s29 =	simm.s32 $0x9;
	_ =	strace $0x80000048  }
0xc1: {  	_ =	swait.ge [sflag:s29], $0x1  }
0xc2: {  	[sflag:s29] =	ssyncadd.s32 $0xFFFFFFFF  }
0xc3: {  	_ =	strace $0x90000048  }
0xc4: {  	_ =	sfence  }
0xc5: {  	s30 =	sld [smem:$0x0];
	_ =	sdelay $0x2  }
0xc6: {  	s31 =	sshll.u32 s1, $0xD;
	s1 =	sshrl.u32 s1, $0x2  }
0xc7: {  	s3 =	sand.u32 $0x4000, s31;
	s1 =	sadd.s32 s1, s30  }
0xc8: {  	s0 =	sor.u32 s3, s0;
	s1 =	sshll.u32 s1, $0x11  }
0xc9: {  	s0 =	sor.u32 s1, s0  }
0xca: {  	s0 =	sadd.s32 $0x8F2B, s0  }
0xcb: {  	[sflag:s0] =	ssyncadd.remote.s32 $0x1  }
0xcc: {  	_ =	sfence.sel $0xFFFF  }
0xcd: {  	[dreg:$0x0] =	wrdreg $0xFFFFFFFF;
	(pc) =	sbr.abs _section_cstart, $3  }
0xce: {  	[dreg:$0x1] =	wrdreg $0xFFFFFFFF  }
0xcf: {  	_ =	task.clear_ibuf [dreg:s12], $0x2FFFF;
	_ =	strace $0x9FFFFFFF  }
0xd0: {  	(tm) =	ssettm $0x7FFFFFFF  }
0xd1: {  	_ =	shalt  }
tec
execute0_lowered:
.L_overlay_start_1:
0x0: {  	(tag) =	ssettag $0x1  }
0x1: {  	s0 =	rddreg [dreg:$0x0]  }
0x2: {  	s1 =	rddreg [dreg:$0x1]  }
0x3: {  	s2 =	rddreg [dreg:$0x2]  }
0x4: {  	s3 =	rddreg [dreg:$0x6]  }
0x5: {  	s4 =	rddreg [dreg:$0x7]  }
0x6: {  	s5 =	rddreg [dreg:$0x8]  }
0x7: {  	s6 =	rddreg [dreg:$0x9]  }
0x8: {  	s7 =	rddreg [dreg:$0xa];
	s8 =	srdreg.scid;
	s9 =	simm.s32 $0x0  }
0x9: {  	s12 =	stileid.u32;
	s21 =	simm.s32 $0x102C0;
	s22 =	simm.s32 $0x1  }
0xa: {  	s23 =	simm.s32 $0x2;
	s24 =	simm.s32 $0x200;
	s25 =	simm.s32 $0x10AC0  }
0xb: {  	s26 =	simm.s32 $0x10CC0;
	s28 =	simm.s32 $0x104C0;
	s30 =	simm.s32 $0x3  }
0xc: {  	s31 =	simm.s32 $0x0;
	s8 =	sand.u32 $0x1, s8;
	[smem:$0x7FF] =	sst s9  }
0xd: {  	s29 =	sshll.u32 s12, $0x10;
	s17 =	sshll.u32 s12, $0x6;
	s18 =	sshrl.u32 s5, $0x3  }
0xe: {  	s19 =	sshrl.u32 s6, $0x3;
	s20 =	sshrl.u32 s7, $0x3;
	s10 =	sshll.u32 s8, $0x4  }
0xf: {  	s8 =	ssub.s32 $0x2, s8;
	_ =	strace $0x80000047;
	s16 =	sadd.s32 s29, s4  }
0x10: {  	v0 =	vmov s29;
	s29 =	simm.s32 $0x10EC0;
	s10 =	sor.u32 s12, s10;
	s11 =	sshrl.u32 s8, $0x1  }
0x11: {  	s16 =	sshrl.u32 s16, $0x3;
	s13 =	sshll.u32 s10, $0x6;
	s8 =	ssub.s32 s8, s11  }
0x12: {  	s10 =	sshll.u32 s10, $0xD;
	s11 =	sor.u32 $0x1C01, s17;
	s17 =	sor.u32 $0x1C02, s17  }
0x13: {  	v1 =	vlaneseq.u32;
	s3 =	sadd.s32 s13, s3;
	s10 =	sadd.s32 s0, s10;
	s12 =	sadd.s32 s1, s13  }
0x14: {  	v1 =	vmul.u32 $0x80, v1;
	s13 =	sadd.s32 s2, s13;
	s15 =	smax.u32 s8, $0x1;
	s14 =	sadd.s32 $0x400, s3  }
.LBB2_1:
0x15: {  	[spmem:s16], [sflag:s11] =	dma.local [hbm:s10], $0x2000  }
0x16: {  	s0 =	rddreg [dreg:$0x3]  }
0x17: {  	[spmem:s18], [sflag:s17] =	dma.local [hbm:s0], $0x80  }
0x18: {  	s0 =	rddreg [dreg:$0x4]  }
0x19: {  	[spmem:s19], [sflag:s17] =	dma.local [hbm:s0], $0x80  }
0x1a: {  	s8 =	simm.s32 $0x100C0;
	s0 =	rddreg [dreg:$0x5]  }
0x1b: {  	[spmem:s20], [sflag:s17] =	dma.local [hbm:s0], $0x80  }
0x1c: {  	[tilespmem:s8], [sflag:$0x1] =	stream.linear.gather [hbm4b:s12+s9], $0x200, $0x38;
	[tilespmem:$0x110C0] =	vst v63  }
0x1d: {  	_ = 	snop  }
0x1e: {  	[tilespmem:s21], [sflag:$0x1] =	stream.linear.gather [hbm4b:s13+s9], $0x200, $0x38;
	[tilespmem:$0x110C0] =	vst v63  }
0x1f: {  	_ =	swait.ge [sflag:s22], $0x200  }
0x20: {  	[sflag:s22] =	ssyncset.done $0x0  }
0x21: {  	[sflag:s22] =	ssyncadd.s32 $0xFFFFFE00  }
0x22: {  	_ =	swait.ge [sflag:s22], $0x200  }
0x23: {  	[sflag:s22] =	ssyncset.done $0x0  }
0x24: {  	[sflag:s22] =	ssyncadd.s32 $0xFFFFFE00  }
0x25: {  	v2 =	vld [tilespmem:s8+$0x0]  }
0x26: {  	v3 =	vmov s9  }
0x27: {  	v3 =	vshll.u32 v3, $0x7  }
0x28: {  	v3 =	vor.u32 v1, v3  }
0x29: {  	v3 =	vadd.s32 v0, v3  }
0x2a: {  	v2 =	vadd.s32 v2, v3  }
0x2b: {  	s1 =	simm.s32 $0x100D0;
	[tilespmem:s28+$0x0] =	vst v2  }
0x2c: {  	s3 =	simm.s32 $0x10;
	s0 =	simm.s32 $0x104C0;
	s8 =	simm.s32 $0x20;
	v2 =	vld [tilespmem:s1+$0x0]  }
.LBB2_2:
0x2d: {  	p0 =	sne.s32 s8, $0x1F0;
	v3 =	vmov s3;
	s3 =	smov.u32 s8  }
0x2e: {  	v3 =	vshll.u32 v3, $0x7  }
.Ltmp0:
0x2f: {  	v3 =	vor.u32 v1, v3;
	(pc) =	sbr.rel @p0 .LBB2_2-.Ltmp0, $4  }
0x30: {  	v3 =	vadd.s32 v0, v3  }
0x31: {  	s0 =	sadd.s32 $0x10, s0;
	v2 =	vadd.s32 v2, v3  }
0x32: {  	s1 =	sadd.s32 $0x10, s1;
	[tilespmem:s0+$0x0] =	vst v2  }
0x33: {  	s8 =	sadd.s32 $0x10, s8;
	v2 =	vld [tilespmem:s1+$0x0]  }
0x34: {  	v3 =	vmov s3  }
0x35: {  	v3 =	vshll.u32 v3, $0x7  }
0x36: {  	v3 =	vor.u32 v1, v3  }
0x37: {  	v3 =	vadd.s32 v0, v3  }
0x38: {  	s0 =	sadd.s32 $0x10, s0;
	v2 =	vadd.s32 v2, v3  }
0x39: {  	[tilespmem:s0+$0x0] =	vst v2  }
0x3a: {  	_ =	swait.ge [sflag:s23], $0x80  }
0x3b: {  	[sflag:s23] =	ssyncset.done $0x0  }
0x3c: {  	[sflag:s23] =	ssyncadd.s32 $0xFFFFFF80  }
0x3d: {  	_ =	swait.ge [sflag:s23], $0x80  }
0x3e: {  	[sflag:s23] =	ssyncset.done $0x0  }
0x3f: {  	[sflag:s23] =	ssyncadd.s32 $0xFFFFFF80  }
0x40: {  	_ =	swait.ge [sflag:s23], $0x80  }
0x41: {  	[sflag:s23] =	ssyncset.done $0x0  }
0x42: {  	s3 =	simm.s32 $0x108C0;
	[sflag:s23] =	ssyncadd.s32 $0xFFFFFF80  }
0x43: {  	[tilespmem:s3], [sflag:$0x2] =	stream.indirect.gather [spmem:s5], $0x1, s21, s24, $0xb8;
	[tilespmem:$0x110C0] =	vst v63  }
0x44: {  	_ = 	snop  }
0x45: {  	[tilespmem:s25], [sflag:$0x2] =	stream.indirect.gather [spmem:s6], $0x1, s21, s24, $0xb8;
	[tilespmem:$0x110C0] =	vst v63  }
0x46: {  	_ = 	snop  }
0x47: {  	[tilespmem:s26], [sflag:$0x2] =	stream.indirect.gather [spmem:s7], $0x1, s21, s24, $0xb8;
	[tilespmem:$0x110C0] =	vst v63  }
0x48: {  	_ =	swait.ge [sflag:s22], $0x2000  }
0x49: {  	[sflag:s22] =	ssyncset.done $0x0  }
0x4a: {  	s1 =	simm.s32 $0x106C0;
	[sflag:s22] =	ssyncadd.s32 $0xFFFFE000  }
0x4b: {  	[tilespmem:s1], [sflag:$0x1] =	stream.indirect.gather [spmem:s4], $0x1, s28, s24, $0xb8;
	[tilespmem:$0x110C0] =	vst v63  }
0x4c: {  	_ =	swait.ge [sflag:s23], $0x200  }
0x4d: {  	[sflag:s23] =	ssyncset.done $0x0  }
0x4e: {  	[sflag:s23] =	ssyncadd.s32 $0xFFFFFE00  }
0x4f: {  	_ =	swait.ge [sflag:s23], $0x200  }
0x50: {  	[sflag:s23] =	ssyncset.done $0x0  }
0x51: {  	[sflag:s23] =	ssyncadd.s32 $0xFFFFFE00  }
0x52: {  	_ =	swait.ge [sflag:s23], $0x200  }
0x53: {  	[sflag:s23] =	ssyncset.done $0x0  }
0x54: {  	[sflag:s23] =	ssyncadd.s32 $0xFFFFFE00  }
0x55: {  	_ =	swait.ge [sflag:s22], $0x200  }
0x56: {  	[sflag:s22] =	ssyncset.done $0x0  }
0x57: {  	s2 =	simm.s32 $0x0;
	[sflag:s22] =	ssyncadd.s32 $0xFFFFFE00  }
0x58: {  	s8 =	sand.u32 $0x1F0, s2;
	v2 =	vld [tilespmem:s3+$0x0]  }
0x59: {  	v3 =	vld [tilespmem:s8+$0x10CC0]  }
0x5a: {  	v4 =	vld [tilespmem:s1+$0x0];
	_ =	sdelay $0x1  }
0x5b: {  	v5 =	vld [tilespmem:s8+$0x10AC0];
	_ =	sdelay $0x2  }
0x5c: {  	v3 =	vmul.f32 v3, v4;
	v2 =	vmul.f32 v2, v4;
	_ =	sdelay $0x1  }
0x5d: {  	v2 =	vadd.f32 v2, v5;
	v3 =	vmul.f32 v3, v3;
	_ =	sdelay $0x1  }
0x5e: {  	v2 =	vsub.f32 v2, v3  }
0x5f: {  	s3 =	simm.s32 $0x10EC0  }
0x60: {  	s2 =	simm.s32 $0x10;
	s8 =	simm.s32 $0x108D0;
	[tilespmem:s3+$0x0] =	vst v2  }
0x61: {  	s2 =	sand.u32 $0x1F0, s2;
	v2 =	vld [tilespmem:s8+$0x0]  }
0x62: {  	s0 =	simm.s32 $0x106D0;
	s1 =	simm.s32 $0x20;
	v3 =	vld [tilespmem:s2+$0x10CC0]  }
.LBB2_4:
0x63: {  	p0 =	sne.s32 s1, $0x1F0;
	v4 =	vld [tilespmem:s0+$0x0];
	_ =	sdelay $0x1  }
0x64: {  	v5 =	vld [tilespmem:s2+$0x10AC0];
	_ =	sdelay $0x2  }
0x65: {  	v3 =	vmul.f32 v3, v4;
	v2 =	vmul.f32 v2, v4;
	_ =	sdelay $0x1  }
0x66: {  	v2 =	vadd.f32 v2, v5;
	v3 =	vmul.f32 v3, v3;
	_ =	sdelay $0x1  }
.Ltmp1:
0x67: {  	v2 =	vsub.f32 v2, v3;
	(pc) =	sbr.rel @p0 .LBB2_4-.Ltmp1, $4  }
0x68: {  	s3 =	sadd.s32 $0x10, s3  }
0x69: {  	s8 =	sadd.s32 $0x10, s8;
	[tilespmem:s3+$0x0] =	vst v2  }
0x6a: {  	s2 =	sand.u32 $0x1F0, s1;
	v2 =	vld [tilespmem:s8+$0x0]  }
0x6b: {  	s0 =	sadd.s32 $0x10, s0;
	s1 =	sadd.s32 $0x10, s1;
	v3 =	vld [tilespmem:s2+$0x10CC0]  }
0x6c: {  	v4 =	vld [tilespmem:s0+$0x0];
	_ =	sdelay $0x1  }
0x6d: {  	v5 =	vld [tilespmem:s2+$0x10AC0];
	_ =	sdelay $0x2  }
0x6e: {  	v3 =	vmul.f32 v3, v4;
	v2 =	vmul.f32 v2, v4;
	_ =	sdelay $0x1  }
0x6f: {  	v2 =	vadd.f32 v2, v5;
	v3 =	vmul.f32 v3, v3;
	_ =	sdelay $0x1  }
0x70: {  	s31 =	sadd.s32 $0x1, s31;
	v2 =	vsub.f32 v2, v3  }
0x71: {  	s8 =	sadd.s32 $0x10, s3;
	p0 =	sne.s32 s31, s15  }
.Ltmp2:
0x72: {  	[tilespmem:s8+$0x0] =	vst v2;
	(pc) =	sbr.rel @p0 .LBB2_1-.Ltmp2, $4  }
0x73: {  	[hbm4b:s14+s9] =	stream.linear.scatter [tilespmem:s29], [sflag:$0x3], $0x200, $0x38;
	[tilespmem:$0x110C0] =	vst v63  }
0x74: {  	_ =	swait.ge [sflag:s30], $0x200  }
0x75: {  	[sflag:s30] =	ssyncset.done $0x0  }
0x76: {  	[sflag:s30] =	ssyncadd.s32 $0xFFFFFE00  }
0x77: {  	_ =	sfence.sel $0x180000  }
0x78: {  	[bflag:$0x0] =	sbarrier.arrive $0xFFFF  }
0x79: {  	_ =	strace $0x90000047  }
0x7a: {  	s0 =	stileid.u32;
	[bflag:$0x2] =	sbarrier.arrive $0xFFFF  }
0x7b: {  	p0 =	sne.s32 s0, $0x0;
	s0 =	rddreg [dreg:$0xb]  }
0x7c: {  	s0 =	sadd.s32 @!p0 $0x100000, s0  }
0x7d: {  	[sflag:s0] =	ssyncadd.tile.s32 @!p0 $0x1;
	_ =	shalt  }
.Lfunc_end2:
_tile_overlayer_lowered:
.L_overlay_start_2:
0x7e: {  	(tag) =	ssettag $0x2  }
0x7f: {  	s0 =	rddreg [dreg:$0x0];
	s2 =	stileid.u32  }
0x80: {  	s1 =	rddreg [dreg:$0x1];
	p0 =	sne.s32 s2, $0x0  }
0x81: {  	s3 =	rddreg [dreg:$0x2];
	[bflag:$0x3] =	sbarrier.arrive $0xFFFF;
	s2 =	simm.s32 @!p0 $0x1C03  }
0x82: {  	[timem:s3], [sflag:s2] =	dma.local @!p0 [hbm:s0], s1  }
0x83: {  	s0 =	simm.s32 @!p0 $0x3  }
0x84: {  	_ =	swait.ge @!p0 [sflag:s0], s1  }
0x85: {  	s1 =	ssub.s32 @!p0 $0x0, s1;
	[sflag:s0] =	ssyncset.done @!p0 $0x0  }
0x86: {  	[sflag:s0] =	ssyncadd.s32 @!p0 s1  }
0x87: {  	[bflag:$0x3] =	sbarrier.arrive $0xFFFF  }
0x88: {  	_ =	shalt  }

</sc_bundles>
